<compile_context>
chip_gen: v7x
topology: tpu7x:2x2x1
jax: 0.10.2.dev20260603
libtpu: 0.0.44.dev20260713+nightly
codegen_flags: <defaults>
</compile_context>

<pallas_src>
import jax
import jax.numpy as jnp
from jax import lax
from jax.experimental import pallas as pl
from jax.experimental.pallas import tpu as pltpu
from jax.experimental.pallas import tpu_sc as plsc

_NC = 2
_NS = 16
_NW = _NC * _NS


def _make_gather_body(bpw):
    def _gather_body(n_id_hbm, lu_hbm, init_hbm, mem_out, lu_out,
                     idx_v, rows_v, luv_v, sem_rows, sem_lu):
        wid = lax.axis_index("s") * _NC + lax.axis_index("c")
        base = wid * bpw
        pltpu.sync_copy(n_id_hbm.at[pl.ds(base, bpw)], idx_v)
        cp_rows = pltpu.async_copy(init_hbm.at[idx_v], rows_v, sem_rows)
        cp_lu = pltpu.async_copy(lu_hbm.at[idx_v], luv_v, sem_lu)
        cp_rows.wait()
        cp_lu.wait()
        pltpu.sync_copy(rows_v, mem_out.at[pl.ds(base, bpw)])
        pltpu.sync_copy(luv_v, lu_out.at[pl.ds(base, bpw)])

    return _gather_body


@jax.jit
def _sc_gather(n_id, last_update, init_memory):
    b = n_id.shape[0]
    d = init_memory.shape[1]
    bpw = b // _NW
    mesh = plsc.VectorSubcoreMesh(core_axis_name="c", subcore_axis_name="s")
    fn = pl.kernel(
        _make_gather_body(bpw),
        out_type=(
            jax.ShapeDtypeStruct((b, d), init_memory.dtype),
            jax.ShapeDtypeStruct((b,), last_update.dtype),
        ),
        mesh=mesh,
        scratch_types=[
            pltpu.VMEM((bpw,), jnp.int32),
            pltpu.VMEM((bpw, d), init_memory.dtype),
            pltpu.VMEM((bpw,), last_update.dtype),
            pltpu.SemaphoreType.DMA,
            pltpu.SemaphoreType.DMA,
        ],
    )
    return fn(n_id, last_update, init_memory)


def kernel(n_id, memory, last_update, init_memory, W_ih, W_hh, b_ih, b_hh):
    mem, lu = _sc_gather(n_id, last_update, init_memory)
    update_loss = (lu[0] * 0).astype(jnp.float32)
    return mem, lu, update_loss

# --- scband reference (transcript-rebuilt; emitter-appended) ---
"""Pipeline reference for scband-tgnplmemory-32615981645895 (READ-ONLY COPY).

The authoritative reference and input builder live on the scoring server;
editing this copy changes nothing except your own understanding.
"""

import jax, jax.numpy as jnp
import numpy as np

NUM_NODES = 100000
MEMORY_DIM = 128
RAW_MSG_DIM = 64
TIME_DIM = 128
MSG_DIM = 3 * MEMORY_DIM + RAW_MSG_DIM + TIME_DIM  # IdentityMessage.out_channels = 576
B = 16384


def setup_inputs(seed: int = 0) -> dict:
    key = jax.random.key(seed)
    ks = jax.random.split(key, 8)
    n_id = jnp.sort(jax.random.randint(ks[0], (B,), 0, NUM_NODES))
    # buffers after reset_state(): memory zeroed, last_update all -1
    memory = jnp.zeros((NUM_NODES, MEMORY_DIM), jnp.float32)
    last_update = -jnp.ones((NUM_NODES,), jnp.int32)
    # learnable init_memory Embedding table
    init_memory = jax.random.normal(ks[1], (NUM_NODES, MEMORY_DIM), jnp.float32) * 0.02
    # GRUCell parameters (input size = MSG_DIM, hidden size = MEMORY_DIM)
    W_ih = jax.random.normal(ks[2], (3 * MEMORY_DIM, MSG_DIM), jnp.float32) * 0.05
    W_hh = jax.random.normal(ks[3], (3 * MEMORY_DIM, MEMORY_DIM), jnp.float32) * 0.05
    b_ih = jnp.zeros((3 * MEMORY_DIM,), jnp.float32)
    b_hh = jnp.zeros((3 * MEMORY_DIM,), jnp.float32)
    return {"n_id": n_id, "memory": memory, "last_update": last_update,
            "init_memory": init_memory, "W_ih": W_ih, "W_hh": W_hh,
            "b_ih": b_ih, "b_hh": b_hh}


def _gru_cell(x, h, W_ih, W_hh, b_ih, b_hh):
    gi = x @ W_ih.T + b_ih
    gh = h @ W_hh.T + b_hh
    H = h.shape[1]
    i_r, i_z, i_n = gi[:, :H], gi[:, H:2 * H], gi[:, 2 * H:]
    h_r, h_z, h_n = gh[:, :H], gh[:, H:2 * H], gh[:, 2 * H:]
    r = jax.nn.sigmoid(i_r + h_r)
    z = jax.nn.sigmoid(i_z + h_z)
    n = jnp.tanh(i_n + r * h_n)
    return (1.0 - z) * n + z * h


def reference(n_id, memory, last_update, init_memory, W_ih, W_hh, b_ih, b_hh):
    # training-mode forward: _get_updated_memory(n_id) right after reset_state(),
    # so all three message stores are empty.
    Bn = n_id.shape[0]
    num_nodes = memory.shape[0]
    # self._assoc[n_id] = arange  (scatter-overwrite into node-indexed buffer)
    assoc = jnp.zeros((num_nodes,), jnp.int32).at[n_id].set(jnp.arange(Bn, dtype=jnp.int32))
    msg_dim = W_ih.shape[1]
    # empty msg stores -> concatenated msg/t/idx are empty; LastAggregator returns zeros[Bn, msg_dim]
    aggr = jnp.zeros((Bn, msg_dim), memory.dtype)
    mem = jnp.take(memory, n_id, axis=0)
    lu = jnp.take(last_update, n_id, axis=0)
    use_init = (lu == -1)
    # memory[use_init] = self.init_memory(n_id[use_init])
    mem = jnp.where(use_init[:, None], jnp.take(init_memory, n_id, axis=0), mem)
    new_mem = _gru_cell(aggr, mem, W_ih, W_hh, b_ih, b_hh)
    # has_new_messages = isin(n_id, idx); idx is empty -> all False -> update_loss = 0
    has_new = jnp.zeros((Bn,), bool)
    update_loss = jnp.float32(0.0)
    mem = jnp.where(has_new[:, None], new_mem, mem)
    return mem, lu, update_loss

if __name__ == "__main__":
    import jax
    _d = setup_inputs()
    print(jax.jit(kernel)(*tuple(_d.values())))

</pallas_src>

<mosaic_0001>
#map = affine_map<(d0, d1) -> (0)>
#map1 = affine_map<(d0, d1) -> (0, 0)>
module attributes {stable_mosaic.version = 14 : i64} {
  func.func @_gather_body(%arg0: i32, %arg1: i32, %arg2: memref<16384xi32, #tpu.memory_space<hbm>>, %arg3: memref<100000xi32, #tpu.memory_space<hbm>>, %arg4: memref<100000x128xf32, #tpu.memory_space<hbm>>, %arg5: memref<16384x128xf32, #tpu.memory_space<hbm>>, %arg6: memref<16384xi32, #tpu.memory_space<hbm>>, %arg7: memref<512xi32, #tpu.memory_space<vmem>>, %arg8: memref<512x128xf32, #tpu.memory_space<vmem>>, %arg9: memref<512xi32, #tpu.memory_space<vmem>>, %arg10: memref<!tpu.dma_semaphore, #tpu.memory_space<semaphore_mem>>, %arg11: memref<!tpu.dma_semaphore, #tpu.memory_space<semaphore_mem>>) attributes {dimension_semantics = [#tpu.dimension_semantics<core_parallel>, #tpu.dimension_semantics<subcore_parallel>], iteration_bounds = array<i64: 2, 16>, scalar_prefetch = 0 : i64, scratch_operands = 5 : i64, tpu.core_type = #tpu.core_type<sc_vector_subcore>, window_params = [{transform_indices = #map}, {transform_indices = #map}, {transform_indices = #map1}, {transform_indices = #map1}, {transform_indices = #map}]} {
    %mul3A = arith.constant 2 : i32
    %mul3A_0 = arith.muli %arg1, %mul3A : i32
    %add3A = arith.addi %mul3A_0, %arg0 : i32
    %mul3A_1 = arith.constant 512 : i32
    %mul3A_2 = arith.muli %add3A, %mul3A_1 : i32
    "tpu.region"() ({
      %run_scoped3A = tpu.sem_alloc : memref<!tpu.dma_semaphore, #tpu.memory_space<semaphore_mem>>
      %dma_start3A_11 = tpu.memref_slice %arg2[%mul3A_2] : memref<16384xi32, #tpu.memory_space<hbm>> -> memref<512xi32, #tpu.memory_space<hbm>>
      %dma_start3A_12 = tpu.memref_slice %arg2[%mul3A_2] : memref<16384xi32, #tpu.memory_space<hbm>> -> memref<512xi32, #tpu.memory_space<hbm>>
      tpu.enqueue_dma source(%dma_start3A_12 : memref<512xi32, #tpu.memory_space<hbm>>) target(%arg7 : memref<512xi32, #tpu.memory_space<vmem>>) target_semaphore(%run_scoped3A : memref<!tpu.dma_semaphore, #tpu.memory_space<semaphore_mem>>)
      %dma_wait3A_13 = tpu.memref_slice %arg2[%mul3A_2] : memref<16384xi32, #tpu.memory_space<hbm>> -> memref<512xi32, #tpu.memory_space<hbm>>
      %dma_wait3A_14 = tpu.memref_slice %arg2[%mul3A_2] : memref<16384xi32, #tpu.memory_space<hbm>> -> memref<512xi32, #tpu.memory_space<hbm>>
      tpu.wait_dma2 semaphore(%run_scoped3A : memref<!tpu.dma_semaphore, #tpu.memory_space<semaphore_mem>>) src(%dma_wait3A_14 : memref<512xi32, #tpu.memory_space<hbm>>) dst(%arg7 : memref<512xi32, #tpu.memory_space<vmem>>)
      tpu.yield
    }) : () -> ()
    %dma_start3A = arith.constant 0 : i32
    %dma_start3A_3 = arith.constant 0 : i32
    %dma_start3A_4 = tpu.memref_slice %arg4[%dma_start3A, %dma_start3A_3] : memref<100000x128xf32, #tpu.memory_space<hbm>> -> memref<100000x128xf32, #tpu.memory_space<hbm>>
    tpu.enqueue_indirect_dma source(%dma_start3A_4 : memref<100000x128xf32, #tpu.memory_space<hbm>>) target(%arg8 : memref<512x128xf32, #tpu.memory_space<vmem>>) offsets(%arg7 : memref<512xi32, #tpu.memory_space<vmem>>) semaphore(%arg10 : memref<!tpu.dma_semaphore, #tpu.memory_space<semaphore_mem>>)
    %dma_start3A_5 = arith.constant 0 : i32
    %dma_start3A_6 = tpu.memref_slice %arg3[%dma_start3A_5] : memref<100000xi32, #tpu.memory_space<hbm>> -> memref<100000xi32, #tpu.memory_space<hbm>>
    tpu.enqueue_indirect_dma source(%dma_start3A_6 : memref<100000xi32, #tpu.memory_space<hbm>>) target(%arg9 : memref<512xi32, #tpu.memory_space<vmem>>) offsets(%arg7 : memref<512xi32, #tpu.memory_space<vmem>>) semaphore(%arg11 : memref<!tpu.dma_semaphore, #tpu.memory_space<semaphore_mem>>)
    %dma_wait3A = arith.constant 0 : i32
    %dma_wait3A_7 = arith.constant 0 : i32
    %dma_wait3A_8 = tpu.memref_slice %arg4[%dma_wait3A, %dma_wait3A_7] : memref<100000x128xf32, #tpu.memory_space<hbm>> -> memref<100000x128xf32, #tpu.memory_space<hbm>>
    tpu.wait_indirect_dma semaphore(%arg10 : memref<!tpu.dma_semaphore, #tpu.memory_space<semaphore_mem>>) src(%dma_wait3A_8 : memref<100000x128xf32, #tpu.memory_space<hbm>>) dst(%arg8 : memref<512x128xf32, #tpu.memory_space<vmem>>)
    %dma_wait3A_9 = arith.constant 0 : i32
    %dma_wait3A_10 = tpu.memref_slice %arg3[%dma_wait3A_9] : memref<100000xi32, #tpu.memory_space<hbm>> -> memref<100000xi32, #tpu.memory_space<hbm>>
    tpu.wait_indirect_dma semaphore(%arg11 : memref<!tpu.dma_semaphore, #tpu.memory_space<semaphore_mem>>) src(%dma_wait3A_10 : memref<100000xi32, #tpu.memory_space<hbm>>) dst(%arg9 : memref<512xi32, #tpu.memory_space<vmem>>)
    "tpu.region"() ({
      %run_scoped3A = tpu.sem_alloc : memref<!tpu.dma_semaphore, #tpu.memory_space<semaphore_mem>>
      %dma_start3A_11 = arith.constant 0 : i32
      %dma_start3A_12 = tpu.memref_slice %arg5[%mul3A_2, %dma_start3A_11] : memref<16384x128xf32, #tpu.memory_space<hbm>> -> memref<512x128xf32, #tpu.memory_space<hbm>>
      %dma_start3A_13 = arith.constant 0 : i32
      %dma_start3A_14 = tpu.memref_slice %arg5[%mul3A_2, %dma_start3A_13] : memref<16384x128xf32, #tpu.memory_space<hbm>> -> memref<512x128xf32, #tpu.memory_space<hbm>>
      tpu.enqueue_dma source(%arg8 : memref<512x128xf32, #tpu.memory_space<vmem>>) target(%dma_start3A_14 : memref<512x128xf32, #tpu.memory_space<hbm>>) target_semaphore(%run_scoped3A : memref<!tpu.dma_semaphore, #tpu.memory_space<semaphore_mem>>)
      %dma_wait3A_15 = arith.constant 0 : i32
      %dma_wait3A_16 = tpu.memref_slice %arg5[%mul3A_2, %dma_wait3A_15] : memref<16384x128xf32, #tpu.memory_space<hbm>> -> memref<512x128xf32, #tpu.memory_space<hbm>>
      %dma_wait3A_17 = arith.constant 0 : i32
      %dma_wait3A_18 = tpu.memref_slice %arg5[%mul3A_2, %dma_wait3A_17] : memref<16384x128xf32, #tpu.memory_space<hbm>> -> memref<512x128xf32, #tpu.memory_space<hbm>>
      tpu.wait_dma2 semaphore(%run_scoped3A : memref<!tpu.dma_semaphore, #tpu.memory_space<semaphore_mem>>) src(%arg8 : memref<512x128xf32, #tpu.memory_space<vmem>>) dst(%dma_wait3A_18 : memref<512x128xf32, #tpu.memory_space<hbm>>)
      tpu.yield
    }) : () -> ()
    "tpu.region"() ({
      %run_scoped3A = tpu.sem_alloc : memref<!tpu.dma_semaphore, #tpu.memory_space<semaphore_mem>>
      %dma_start3A_11 = tpu.memref_slice %arg6[%mul3A_2] : memref<16384xi32, #tpu.memory_space<hbm>> -> memref<512xi32, #tpu.memory_space<hbm>>
      %dma_start3A_12 = tpu.memref_slice %arg6[%mul3A_2] : memref<16384xi32, #tpu.memory_space<hbm>> -> memref<512xi32, #tpu.memory_space<hbm>>
      tpu.enqueue_dma source(%arg9 : memref<512xi32, #tpu.memory_space<vmem>>) target(%dma_start3A_12 : memref<512xi32, #tpu.memory_space<hbm>>) target_semaphore(%run_scoped3A : memref<!tpu.dma_semaphore, #tpu.memory_space<semaphore_mem>>)
      %dma_wait3A_13 = tpu.memref_slice %arg6[%mul3A_2] : memref<16384xi32, #tpu.memory_space<hbm>> -> memref<512xi32, #tpu.memory_space<hbm>>
      %dma_wait3A_14 = tpu.memref_slice %arg6[%mul3A_2] : memref<16384xi32, #tpu.memory_space<hbm>> -> memref<512xi32, #tpu.memory_space<hbm>>
      tpu.wait_dma2 semaphore(%run_scoped3A : memref<!tpu.dma_semaphore, #tpu.memory_space<semaphore_mem>>) src(%arg9 : memref<512xi32, #tpu.memory_space<vmem>>) dst(%dma_wait3A_14 : memref<512xi32, #tpu.memory_space<hbm>>)
      tpu.yield
    }) : () -> ()
    return
  }
}

</mosaic_0001>

<sc_bundles>
// kernel: _sc_gather.3.cloned.1.call-start
scs
__scs_entry_jumppad:
0x0: {  	(pc) =	sbr.rel $0x88, $3  }
0x1: {  	(tag) =	ssettag $0x0;
	lr =	simm.s32 $0x1  }
0x2: {  	[smem:$0x3F9E] =	sst lr;
	_ =	strace $0xD0000000  }
0x3: {  	_ = 	snop  }
0x4: {  	_ = 	snop  }
0x5: {  	_ = 	snop  }
0x6: {  	_ = 	snop  }
0x7: {  	_ = 	snop  }
__scs_overlays_trampoline_lowered:
0x8: {  	[smem:$0x3FAD] =	sst s0  }
0x9: {  	[smem:$0x3FAE] =	sst s1  }
0xa: {  	[smem:$0x3FAF] =	sst s2  }
0xb: {  	[smem:$0x3FB0] =	sst s3  }
0xc: {  	[smem:$0x3FB1] =	sst s4  }
0xd: {  	[smem:$0x3FB2] =	sst s5  }
0xe: {  	[smem:$0x3FB3] =	sst s6  }
0xf: {  	[smem:$0x3FB4] =	sst s7  }
0x10: {  	[smem:$0x3FB5] =	sst s8  }
0x11: {  	[smem:$0x3FB6] =	sst s9;
	s0 =	simm.s32 @!p0 $0x0  }
0x12: {  	s1 =	sld [smem:$0x3F9C];
	s0 =	simm.s32 @p0 $0x1  }
0x13: {  	[smem:$0x3FB7] =	sst s0;
	s0 =	simm.s32 @!p1 $0x0  }
0x14: {  	s2 =	sld [smem:$0x3F9B];
	s0 =	simm.s32 @p1 $0x1  }
0x15: {  	[smem:$0x3FB8] =	sst s0;
	s0 =	simm.s32 @!p2 $0x0  }
0x16: {  	s3 =	sld [smem:$0x3FDB];
	s0 =	simm.s32 @p2 $0x1  }
0x17: {  	s4 =	simm.s32 $0x1BF5;
	[smem:$0x3FBA] =	sst s0  }
0x18: {  	s0 =	sld [smem:$0x3F9D];
	_ =	swait.ge [sflag:s4], $0x0  }
0x19: {  	s7 =	sld [smem:$0x3F9E]  }
0x1a: {  	s8 =	sadd.s32 $0xFFFFE003, lr  }
0x1b: {  	s9 =	sadd.s32 $0xFFFFFEF7, lr;
	s5 =	simm.s32 $0xFFFFFFFF;
	p2 =	slt.u32 s8, $0xFFFFF086  }
0x1c: {  	p1 =	slt.u32 s9, $0xF7A;
	s5 =	simm.s32 @!p2 $0x0  }
0x1d: {  	s5 =	simm.s32 @p1 $0x1;
	p0 =	seq.s32 s7, s2  }
0x1e: {  	s7 =	smul.u32 @!p0 $0xF7A, s2;
	p2 =	seq.s32 @!p0 s5, $0x0  }
0x1f: {  	s9 =	smul.u32 $0xF7A, s1;
	s8 =	simm.s32 @!p0 $0x1BF5;
	p2 =	por !p2, p0  }
0x20: {  	[sflag:s8] =	ssyncset.s32 @!p0 $0xFFFFF086;
	s6 =	sadd.s32 @!p0 s3, s7;
	s7 =	simm.s32 @!p0 $0x108  }
0x21: {  	s3 =	sadd.s32 s3, s9;
	s6 =	sadd.s32 @!p0 $0x88, s6;
	s7 =	simm.s32 @p2 $0x1082  }
0x22: {  	[simem:s7], [sflag:s8] =	dma.local @!p0 [hbm:s6], $0xF7A  }
0x23: {  	s9 =	sor.u32 $0xD0000000, s2;
	s6 =	simm.s32 $0x108;
	_ =	swait.ge @!p0 [sflag:s8], $0x0  }
0x24: {  	s3 =	sadd.s32 $0x88, s3;
	s6 =	simm.s32 @!p1 $0x1082;
	[sflag:s4] =	ssyncset.s32 $0xFFFFF086  }
0x25: {  	[simem:s6], [sflag:s4] =	dma.local [hbm:s3], $0xF7A  }
0x26: {  	[smem:$0x3F9E] =	sst s1;
	(tag) =	ssettag s2;
	_ =	strace s9  }
0x27: {  	s1 =	sld [smem:$0x3FAE]  }
0x28: {  	s2 =	sld [smem:$0x3FAF]  }
0x29: {  	s4 =	sld [smem:$0x3FB1]  }
0x2a: {  	p0 =	seq.s32 s5, $0x0;
	s5 =	sld [smem:$0x3FB2]  }
0x2b: {  	s6 =	sld [smem:$0x3FB3]  }
0x2c: {  	s7 =	sld [smem:$0x3FB4]  }
0x2d: {  	s3 =	simm.s32 $0x108;
	s8 =	sld [smem:$0x3FB5]  }
0x2e: {  	s3 =	simm.s32 @!p0 $0x1082;
	s9 =	sld [smem:$0x3FB6]  }
0x2f: {  	lr =	sadd.s32 s0, s3;
	s0 =	sld [smem:$0x3FAD]  }
0x30: {  	s3 =	sld [smem:$0x3FB0]  }
0x31: {  	[smem:$0x3FB9] =	sst s10  }
0x32: {  	s10 =	sld [smem:$0x3FB7];
	_ =	sdelay $0x3  }
0x33: {  	p0 =	seq.s32 s10, $0x1;
	s10 =	sld [smem:$0x3FB9];
	_ =	sdelay $0x3  }
0x34: {  	[smem:$0x3FB9] =	sst s10  }
0x35: {  	s10 =	sld [smem:$0x3FB8];
	_ =	sdelay $0x3  }
0x36: {  	p1 =	seq.s32 s10, $0x1;
	s10 =	sld [smem:$0x3FB9];
	_ =	sdelay $0x3  }
0x37: {  	[smem:$0x3FB9] =	sst s10  }
0x38: {  	s10 =	sld [smem:$0x3FBA]  }
0x39: {  	_ = 	snop;
	(pc) =	sbr.ind lr, $3  }
0x3a: {  	_ = 	snop  }
0x3b: {  	_ = 	snop  }
0x3c: {  	p2 =	seq.s32 s10, $0x1;
	s10 =	sld [smem:$0x3FB9]  }
0x3d: {  	_ =	shalt  }
0x3e: {  	_ =	shalt  }
0x3f: {  	_ =	shalt  }
0x40: {  	_ =	shalt  }
0x41: {  	_ =	shalt  }
0x42: {  	_ =	shalt  }
0x43: {  	_ =	shalt  }
0x44: {  	_ =	shalt  }
0x45: {  	_ =	shalt  }
0x46: {  	_ =	shalt  }
0x47: {  	_ =	shalt  }
0x48: {  	_ =	shalt  }
0x49: {  	_ =	shalt  }
0x4a: {  	_ =	shalt  }
0x4b: {  	_ =	shalt  }
0x4c: {  	_ =	shalt  }
0x4d: {  	_ =	shalt  }
0x4e: {  	_ =	shalt  }
0x4f: {  	_ =	shalt  }
0x50: {  	_ =	shalt  }
0x51: {  	_ =	shalt  }
0x52: {  	_ =	shalt  }
0x53: {  	_ =	shalt  }
0x54: {  	_ =	shalt  }
0x55: {  	_ =	shalt  }
0x56: {  	_ =	shalt  }
0x57: {  	_ =	shalt  }
0x58: {  	_ =	shalt  }
0x59: {  	_ =	shalt  }
0x5a: {  	_ =	shalt  }
0x5b: {  	_ =	shalt  }
0x5c: {  	_ =	shalt  }
0x5d: {  	_ =	shalt  }
0x5e: {  	_ =	shalt  }
0x5f: {  	_ =	shalt  }
0x60: {  	_ =	shalt  }
0x61: {  	_ =	shalt  }
0x62: {  	_ =	shalt  }
0x63: {  	_ =	shalt  }
0x64: {  	_ =	shalt  }
0x65: {  	_ =	shalt  }
0x66: {  	_ =	shalt  }
0x67: {  	_ =	shalt  }
0x68: {  	_ =	shalt  }
0x69: {  	_ =	shalt  }
0x6a: {  	_ =	shalt  }
0x6b: {  	_ =	shalt  }
0x6c: {  	_ =	shalt  }
0x6d: {  	_ =	shalt  }
0x6e: {  	_ =	shalt  }
0x6f: {  	_ =	shalt  }
0x70: {  	_ =	shalt  }
0x71: {  	_ =	shalt  }
0x72: {  	_ =	shalt  }
0x73: {  	_ =	shalt  }
0x74: {  	_ =	shalt  }
0x75: {  	_ =	shalt  }
0x76: {  	_ =	shalt  }
0x77: {  	_ =	shalt  }
0x78: {  	_ =	shalt  }
0x79: {  	_ =	shalt  }
0x7a: {  	_ =	shalt  }
0x7b: {  	_ =	shalt  }
0x7c: {  	_ =	shalt  }
0x7d: {  	_ =	shalt  }
0x7e: {  	_ =	shalt  }
0x7f: {  	_ =	shalt  }
0x80: {  	_ =	shalt  }
0x81: {  	_ =	shalt  }
0x82: {  	_ =	shalt  }
0x83: {  	_ =	shalt  }
0x84: {  	_ =	shalt  }
0x85: {  	_ =	shalt  }
0x86: {  	_ =	shalt  }
0x87: {  	_ =	shalt  }
.Lfunc_end0:
.L_simem_size_0:
called_computation_lowered:
.L_overlay_start_0:
0x88: {  	s2 =	sld [smem:$0x3FD9]  }
0x89: {  	s3 =	sld [smem:$0x3FFE];
	_ =	sdelay $0x1  }
0x8a: {  	s1 =	srdreg.scid  }
0x8b: {  	s0 =	sand.u32 $0x1, s1  }
0x8c: {  	s15 =	sshll.u32 s0, $0xA;
	s2 =	sadd.s32 s3, s2  }
0x8d: {  	s2 =	sadd.s32 s2, s15  }
0x8e: {  	[smem:$0x3FC5] =	sst s2  }
0x8f: {  	_ = 	snop  }
0x90: {  	s2 =	sld [smem:$0x3FD0]  }
0x91: {  	s16 =	sld [smem:$0x3FC9]  }
0x92: {  	s4 =	sld [smem:$0x3FC8]  }
0x93: {  	s6 =	simm.s32 $0xA;
	s7 =	simm.s32 $0x10;
	s5 =	sld [smem:$0x3FC7]  }
0x94: {  	[smem:s7], [sflag:s6] =	dma.local [hbm:s2], $0x1  }
0x95: {  	_ =	swait.eq [sflag:s6], $0x1  }
0x96: {  	[sflag:s6] =	ssyncset.done $0x0  }
0x97: {  	s17 =	sld [smem:$0x10];
	[sflag:s6] =	ssyncadd.s32 $0xFFFFFFFF  }
0x98: {  	s18 =	sld [smem:$0x11];
	(tm) =	ssettm $0x1  }
0x99: {  	s19 =	sld [smem:$0x3FFB];
	_ =	sdelay $0x3  }
0x9a: {  	_ =	strace s19  }
0x9b: {  	s7 =	sld [smem:$0x3FFC];
	_ =	sdelay $0x3  }
0x9c: {  	_ =	strace s7  }
0x9d: {  	s7 =	sld [smem:$0x3FFD];
	_ =	sdelay $0x3  }
0x9e: {  	_ =	strace s7  }
0x9f: {  	_ =	strace $0x8FFFFFFF  }
0xa0: {  	s20 =	sld [smem:$0x3FDB];
	_ =	sdelay $0x1  }
0xa1: {  	s8 =	simm.s32 $_scs_section_size  }
0xa2: {  	s9 =	simm.s32 $_size__tile_overlayer_lowered;
	s10 =	simm.s32 $_tile_overlayer_lowered  }
0xa3: {  	s23 =	simm.s32 $0x1BFF;
	s22 =	sshll.u32 s10, $0x1;
	s7 =	sadd.s32 s8, s20  }
0xa4: {  	s11 =	simm.s32 $0x0;
	s21 =	sshll.u32 s9, $0x1;
	s9 =	sadd.s32 s22, s7  }
0xa5: {  	[timem:s11], [sflag:s23] =	dma.local [hbm:s9], s21  }
0xa6: {  	_ =	swait.ge [sflag:s23], s21  }
0xa7: {  	s8 =	ssub.s32 $0x0, s21;
	[sflag:s23] =	ssyncset.done $0x0  }
0xa8: {  	[sflag:s23] =	ssyncadd.s32 s8;
	_ =	sdelay $0x1  }
0xa9: {  	s24 =	simm.s32 $0x1B8B  }
0xaa: {  	_ =	swait.ge [sflag:s24], $0x1  }
0xab: {  	[sflag:s24] =	ssyncset.done $0x0  }
0xac: {  	s25 =	simm.s32 $0x1B8E;
	[sflag:s24] =	ssyncadd.s32 $0xFFFFFFFF  }
0xad: {  	s26 =	simm.s32 $execute0_lowered;
	[smem:$0x3FD2] =	sst s25  }
0xae: {  	s8 =	sshll.u32 s26, $0x1;
	_ =	strace $0x80000046;
	[dreg:$0x1] =	wrdreg $0xFFFFFFFF  }
0xaf: {  	s28 =	simm.s32 $_size_execute0_lowered;
	s7 =	sadd.s32 s7, s8;
	[dreg:$0x0] =	wrdreg $0x0  }
0xb0: {  	s8 =	sshll.u32 s28, $0x1;
	[dreg:$0x2] =	wrdreg s7  }
0xb1: {  	[dreg:$0x3] =	wrdreg s8  }
0xb2: {  	[dreg:$0x4] =	wrdreg $0xC0  }
0xb3: {  	_ =	task [dreg:s11], $0x5FFFF  }
0xb4: {  	[dreg:$0x1] =	wrdreg $0xFFFFFFFF  }
0xb5: {  	[dreg:$0x0] =	wrdreg $0x60  }
0xb6: {  	[dreg:$0x2] =	wrdreg s16  }
0xb7: {  	[dreg:$0x3] =	wrdreg s4  }
0xb8: {  	[dreg:$0x4] =	wrdreg s5  }
0xb9: {  	[dreg:$0x5] =	wrdreg s17  }
0xba: {  	[dreg:$0x6] =	wrdreg s18  }
0xbb: {  	[dreg:$0x7] =	wrdreg $0x9  }
0xbc: {  	_ =	task.clear_ibuf [dreg:s11], $0x8FFFF;
	_ =	strace $0x90000046  }
0xbd: {  	s29 =	simm.s32 $0x9;
	_ =	strace $0x80000048  }
0xbe: {  	_ =	swait.ge [sflag:s29], $0x1  }
0xbf: {  	[sflag:s29] =	ssyncadd.s32 $0xFFFFFFFF  }
0xc0: {  	_ =	strace $0x90000048  }
0xc1: {  	_ =	sfence  }
0xc2: {  	s30 =	sld [smem:$0x0];
	_ =	sdelay $0x2  }
0xc3: {  	s31 =	sshll.u32 s1, $0xD;
	s1 =	sshrl.u32 s1, $0x2  }
0xc4: {  	s3 =	sand.u32 $0x4000, s31;
	s1 =	sadd.s32 s1, s30  }
0xc5: {  	s0 =	sor.u32 s3, s0;
	s1 =	sshll.u32 s1, $0x11  }
0xc6: {  	s0 =	sor.u32 s1, s0  }
0xc7: {  	s0 =	sadd.s32 $0x8F2B, s0  }
0xc8: {  	[sflag:s0] =	ssyncadd.remote.s32 $0x1  }
0xc9: {  	_ =	sfence.sel $0xFFFF  }
0xca: {  	[dreg:$0x0] =	wrdreg $0xFFFFFFFF;
	(pc) =	sbr.abs _section_cstart, $3  }
0xcb: {  	[dreg:$0x1] =	wrdreg $0xFFFFFFFF  }
0xcc: {  	_ =	task.clear_ibuf [dreg:s11], $0x2FFFF;
	_ =	strace $0x9FFFFFFF  }
0xcd: {  	(tm) =	ssettm $0x7FFFFFFF  }
tec
execute0_lowered:
.L_overlay_start_1:
0x0: {  	(tag) =	ssettag $0x1  }
0x1: {  	s5 =	rddreg [dreg:$0x0]  }
0x2: {  	s1 =	rddreg [dreg:$0x1]  }
0x3: {  	s2 =	rddreg [dreg:$0x2];
	s3 =	srdreg.scid  }
0x4: {  	s11 =	rddreg [dreg:$0x3];
	s0 =	stileid.u32;
	s12 =	sand.u32 $0x1, s3  }
0x5: {  	s13 =	rddreg [dreg:$0x4];
	s6 =	sshll.u32 s0, $0xA;
	s7 =	sshll.u32 s12, $0x9  }
0x6: {  	s4 =	simm.s32 $0x0;
	s3 =	rddreg [dreg:$0x5];
	s14 =	sor.u32 s7, s6  }
0x7: {  	[smem:$0x7FF] =	sst s4;
	s15 =	sshrl.u32 s14, $0x3  }
0x8: {  	_ =	strace $0x80000047;
	s6 =	sadd.s32 s5, s15;
	s5 =	simm.s32 $0x3  }
0x9: {  	[tilespmem:s4], [sflag:$0x3] =	stream.linear.gather [hbm4b:s6+s4], $0x200, $0x38;
	[tilespmem:$0x10400] =	vst v63  }
0xa: {  	_ =	swait.ge [sflag:s5], $0x200  }
0xb: {  	[sflag:s5] =	ssyncset.done $0x0  }
0xc: {  	s7 =	simm.s32 $0x200;
	[sflag:s5] =	ssyncadd.s32 $0xFFFFFE00  }
0xd: {  	[tilespmem:s7], [sflag:$0x1] =	stream.indirect.gather [hbm4b:s2+s7], $0x80, s4, s7, $0xb8;
	[tilespmem:$0x10400] =	vst v63  }
0xe: {  	s8 =	simm.s32 $0x10200;
	s9 =	simm.s32 $0x1  }
0xf: {  	[tilespmem:s8], [sflag:$0x2] =	stream.indirect.gather [hbm4b:s1+s7], $0x1, s4, s7, $0xb8;
	[tilespmem:$0x10400] =	vst v63  }
0x10: {  	_ =	swait.ge [sflag:s9], $0x10000  }
0x11: {  	[sflag:s9] =	ssyncset.done $0x0  }
0x12: {  	s10 =	simm.s32 $0x2;
	s12 =	ssub.s32 $0x2, s12;
	[sflag:s9] =	ssyncadd.s32 $0xFFFF0000  }
0x13: {  	s30 =	sshrl.u32 s12, $0x1;
	s14 =	sshll.u32 s14, $0x4;
	_ =	swait.ge [sflag:s10], $0x200  }
0x14: {  	s11 =	sadd.s32 s11, s14;
	s14 =	ssub.s32 s12, s30;
	[sflag:s10] =	ssyncset.done $0x0  }
0x15: {  	s31 =	smax.u32 s14, $0x1;
	[sflag:s10] =	ssyncadd.s32 $0xFFFFFE00  }
0x16: {  	[hbm4b:s11+s4] =	stream.linear.scatter [tilespmem:s7], [sflag:$0x3], $0x10000, $0x38;
	[tilespmem:$0x10400] =	vst v63  }
0x17: {  	p0 =	sne.s32 s31, $0x1;
	_ =	swait.ge [sflag:s5], $0x10000  }
.Ltmp0:
0x18: {  	[sflag:s5] =	ssyncset.done $0x0;
	(pc) =	sbr.rel @!p0 .LBB2_2-.Ltmp0, $4  }
0x19: {  	s12 =	sadd.s32 s13, s15;
	[sflag:s5] =	ssyncadd.s32 $0xFFFF0000  }
0x1a: {  	[hbm4b:s12+s4] =	stream.linear.scatter [tilespmem:s8], [sflag:$0x3], $0x200, $0x38;
	[tilespmem:$0x10400] =	vst v63  }
0x1b: {  	_ =	swait.ge [sflag:s5], $0x200  }
0x1c: {  	s13 =	sadd.s32 $0xFFFFFFFF, s31;
	[sflag:s5] =	ssyncset.done $0x0  }
.LBB2_1:
0x1d: {  	p0 =	sne.s32 s13, $0x1;
	s13 =	sadd.s32 $0xFFFFFFFF, s13;
	[sflag:s5] =	ssyncadd.s32 $0xFFFFFE00  }
0x1e: {  	[tilespmem:s4], [sflag:$0x3] =	stream.linear.gather [hbm4b:s6+s4], $0x200, $0x38;
	[tilespmem:$0x10400] =	vst v63  }
0x1f: {  	_ =	swait.ge [sflag:s5], $0x200  }
0x20: {  	[sflag:s5] =	ssyncset.done $0x0  }
0x21: {  	[sflag:s5] =	ssyncadd.s32 $0xFFFFFE00  }
0x22: {  	[tilespmem:s7], [sflag:$0x1] =	stream.indirect.gather [hbm4b:s2+s7], $0x80, s4, s7, $0xb8;
	[tilespmem:$0x10400] =	vst v63  }
0x23: {  	_ = 	snop  }
0x24: {  	[tilespmem:s8], [sflag:$0x2] =	stream.indirect.gather [hbm4b:s1+s7], $0x1, s4, s7, $0xb8;
	[tilespmem:$0x10400] =	vst v63  }
0x25: {  	_ =	swait.ge [sflag:s9], $0x10000  }
0x26: {  	[sflag:s9] =	ssyncset.done $0x0  }
0x27: {  	[sflag:s9] =	ssyncadd.s32 $0xFFFF0000  }
0x28: {  	_ =	swait.ge [sflag:s10], $0x200  }
0x29: {  	[sflag:s10] =	ssyncset.done $0x0  }
0x2a: {  	[sflag:s10] =	ssyncadd.s32 $0xFFFFFE00  }
0x2b: {  	[hbm4b:s11+s4] =	stream.linear.scatter [tilespmem:s7], [sflag:$0x3], $0x10000, $0x38;
	[tilespmem:$0x10400] =	vst v63  }
0x2c: {  	_ =	swait.ge [sflag:s5], $0x10000  }
.Ltmp1:
0x2d: {  	[sflag:s5] =	ssyncset.done $0x0;
	(pc) =	sbr.rel @p0 .LBB2_1-.Ltmp1, $4  }
0x2e: {  	[sflag:s5] =	ssyncadd.s32 $0xFFFF0000  }
0x2f: {  	[hbm4b:s12+s4] =	stream.linear.scatter [tilespmem:s8], [sflag:$0x3], $0x200, $0x38;
	[tilespmem:$0x10400] =	vst v63  }
0x30: {  	_ =	swait.ge [sflag:s5], $0x200  }
0x31: {  	[sflag:s5] =	ssyncset.done $0x0  }
.LBB2_2:
0x32: {  	[sflag:s5] =	ssyncadd.s32 $0xFFFFFE00  }
0x33: {  	_ =	sfence.sel $0x180000  }
0x34: {  	[bflag:$0x0] =	sbarrier.arrive $0xFFFF  }
0x35: {  	p0 =	sne.s32 s0, $0x0;
	_ =	strace $0x90000047  }
0x36: {  	s0 =	sadd.s32 @!p0 $0x100000, s3;
	[bflag:$0x2] =	sbarrier.arrive $0xFFFF  }
0x37: {  	[sflag:s0] =	ssyncadd.tile.s32 @!p0 $0x1;
	_ =	shalt  }
.Lfunc_end2:
_tile_overlayer_lowered:
.L_overlay_start_2:
0x38: {  	(tag) =	ssettag $0x2  }
0x39: {  	s0 =	rddreg [dreg:$0x0];
	s2 =	stileid.u32  }
0x3a: {  	s1 =	rddreg [dreg:$0x1];
	p0 =	sne.s32 s2, $0x0  }
0x3b: {  	s3 =	rddreg [dreg:$0x2];
	[bflag:$0x3] =	sbarrier.arrive $0xFFFF;
	s2 =	simm.s32 @!p0 $0x1C03  }
0x3c: {  	[timem:s3], [sflag:s2] =	dma.local @!p0 [hbm:s0], s1  }
0x3d: {  	s0 =	simm.s32 @!p0 $0x3  }
0x3e: {  	_ =	swait.ge @!p0 [sflag:s0], s1  }
0x3f: {  	s1 =	ssub.s32 @!p0 $0x0, s1;
	[sflag:s0] =	ssyncset.done @!p0 $0x0  }
0x40: {  	[sflag:s0] =	ssyncadd.s32 @!p0 s1  }
0x41: {  	[bflag:$0x3] =	sbarrier.arrive $0xFFFF  }
0x42: {  	_ =	shalt  }

</sc_bundles>
